<compile_context>
chip_gen: v7x
topology: tpu7x:2x2x1
jax: 0.10.2.dev20260603
libtpu: 0.0.44.dev20260713+nightly
codegen_flags: <defaults>
</compile_context>

<pallas_src>
import functools

import jax
import jax.numpy as jnp
from jax.experimental import pallas as pl
from jax.experimental.pallas import tpu as pltpu

_N = 5000
_NP = 5120
_T = 1024
_NT = _NP // _T
_K = 1000
_KP = 1024
_TH = 0.7


def _iou_gt(rc, cc):
    x1a, y1a, x2a, y2a = rc[:, 0:1], rc[:, 1:2], rc[:, 2:3], rc[:, 3:4]
    x1b, y1b, x2b, y2b = cc[0:1, :], cc[1:2, :], cc[2:3, :], cc[3:4, :]
    area_a = (x2a - x1a) * (y2a - y1a)
    area_b = (x2b - x1b) * (y2b - y1b)
    xx1 = jnp.maximum(x1a, x1b)
    yy1 = jnp.maximum(y1a, y1b)
    xx2 = jnp.minimum(x2a, x2b)
    yy2 = jnp.minimum(y2a, y2b)
    w = jnp.clip(xx2 - xx1, 0.0)
    h = jnp.clip(yy2 - yy1, 0.0)
    inter = w * h
    iou = inter / (area_a + area_b - inter + 1e-9)
    return iou > _TH


def _matvec(k, m):
    return jax.lax.dot_general(
        k, m, (((1,), (0,)), ((), ())),
        preferred_element_type=jnp.float32)


def _nms_body(rows_ref, cols_ref, out_ref, keep_ref):
    out_ref[0] = jnp.zeros((_KP, 8), jnp.float32)

    i0 = jax.lax.broadcasted_iota(jnp.int32, (_T, _T), 0)
    i1 = jax.lax.broadcasted_iota(jnp.int32, (_T, _T), 1)
    tri_strict = i0 < i1
    tri_incl = (i0 <= i1).astype(jnp.bfloat16)

    def tile_step(t, offset):
        def work(offset):
            off = t * _T
            cc_t = rows_ref[0, :, pl.ds(off, _T)]
            rc_t = cols_ref[0, pl.ds(off, _T), :]
            col_ids = jax.lax.broadcasted_iota(jnp.int32, (1, _T), 1) + off

            def pull(u, sup):
                offu = u * _T
                rc_u = cols_ref[0, pl.ds(offu, _T), :]
                k_u = keep_ref[:, pl.ds(offu, _T)].astype(jnp.bfloat16)
                over2 = _iou_gt(rc_u, cc_t).astype(jnp.bfloat16)
                return sup + _matvec(k_u, over2)

            sup0 = jax.lax.fori_loop(
                0, t, pull, jnp.zeros((1, _T), jnp.float32))
            active_f = jnp.where(
                (sup0 < 0.5) & (col_ids < _N), 1.0, 0.0)

            over_f = (_iou_gt(rc_t, cc_t) & tri_strict).astype(jnp.bfloat16)

            def fix_cond(s):
                return s[1]

            def fix_body(s):
                k, _ = s
                sup = _matvec(k.astype(jnp.bfloat16), over_f)
                k_new = jnp.where(sup > 0.5, 0.0, active_f)
                return k_new, jnp.any(k_new != k)

            k, _ = jax.lax.while_loop(
                fix_cond, fix_body, (active_f, jnp.array(True)))
            keep_ref[:, pl.ds(off, _T)] = k

            k_bf = k.astype(jnp.bfloat16)
            csum = _matvec(k_bf, tri_incl)
            rank = csum - 1.0 + offset
            rank = jnp.where((k > 0.5) & (rank < float(_K)), rank, -1.0)
            rank_i = rank.astype(jnp.int32)
            onehot = (jax.lax.broadcasted_iota(jnp.int32, (_KP, _T), 0)
                      == rank_i).astype(jnp.bfloat16)
            rc_hi = rc_t.astype(jnp.bfloat16)
            rc_mid = (rc_t - rc_hi.astype(jnp.float32)).astype(jnp.bfloat16)
            dn = (((1,), (0,)), ((), ()))
            out_ref[0] += (
                jax.lax.dot_general(onehot, rc_hi, dn,
                                    preferred_element_type=jnp.float32)
                + jax.lax.dot_general(onehot, rc_mid, dn,
                                      preferred_element_type=jnp.float32))
            return offset + jnp.sum(k)

        return jax.lax.cond(offset < float(_K), work, lambda o: o, offset)

    jax.lax.fori_loop(0, _NT, tile_step, jnp.float32(0.0))


@functools.partial(jax.jit, static_argnames=("interpret",))
def _run(boxes, scores, interpret=False):
    b = boxes.shape[0]
    order = jnp.argsort(-scores, axis=-1)
    sb = jnp.take_along_axis(boxes, order[..., None], axis=1)
    sb = jnp.pad(sb, ((0, 0), (0, _NP - _N), (0, 0)))
    cols = jnp.pad(sb, ((0, 0), (0, 0), (0, 4)))
    rows = jnp.pad(jnp.swapaxes(sb, 1, 2), ((0, 0), (0, 4), (0, 0)))

    res = pl.pallas_call(
        _nms_body,
        grid=(b,),
        in_specs=[
            pl.BlockSpec((1, 8, _NP), lambda i: (i, 0, 0)),
            pl.BlockSpec((1, _NP, 8), lambda i: (i, 0, 0)),
        ],
        out_specs=pl.BlockSpec((1, _KP, 8), lambda i: (i, 0, 0)),
        out_shape=jax.ShapeDtypeStruct((b, _KP, 8), jnp.float32),
        scratch_shapes=[pltpu.VMEM((1, _NP), jnp.float32)],
        interpret=interpret,
    )(rows, cols)

    kept = res[:, :_K, :4]
    batch_idx = jnp.broadcast_to(
        jnp.arange(b, dtype=boxes.dtype)[:, None, None], (b, _K, 1))
    return jnp.concatenate([batch_idx, kept], axis=-1)


def kernel(boxes, scores):
    return _run(boxes, scores)

# --- scband reference (transcript-rebuilt; emitter-appended) ---
"""Pipeline reference for scband-rpn-44074954391689 (READ-ONLY COPY).

The authoritative reference and input builder live on the scoring server;
editing this copy changes nothing except your own understanding.
"""

import jax, jax.numpy as jnp
import numpy as np

POST_NMS_TOP_N = 1000
NMS_THRESH = 0.7
B = 2
N = 5000


def setup_inputs(seed: int = 0) -> dict:
    key = jax.random.key(seed)
    k1, k2, k3 = jax.random.split(key, 3)
    # realistic proposal boxes on an ~800x800 image: (x1, y1) uniform, w/h in [1, 129)
    xy1 = jax.random.uniform(k1, (B, N, 2), dtype=jnp.float32) * 800.0
    wh = jax.random.uniform(k2, (B, N, 2), dtype=jnp.float32) * 128.0 + 1.0
    boxes = jnp.concatenate([xy1, xy1 + wh], axis=-1)
    scores = jax.random.uniform(k3, (B, N), dtype=jnp.float32)
    return {"boxes": boxes, "scores": scores}


def _iou_matrix(b):
    x1, y1, x2, y2 = b[:, 0], b[:, 1], b[:, 2], b[:, 3]
    area = (x2 - x1) * (y2 - y1)
    xx1 = jnp.maximum(x1[:, None], x1[None, :])
    yy1 = jnp.maximum(y1[:, None], y1[None, :])
    xx2 = jnp.minimum(x2[:, None], x2[None, :])
    yy2 = jnp.minimum(y2[:, None], y2[None, :])
    w = jnp.clip(xx2 - xx1, 0.0)
    h = jnp.clip(yy2 - yy1, 0.0)
    inter = w * h
    return inter / (area[:, None] + area[None, :] - inter + 1e-9)


def _nms_single(boxes, scores):
    n = boxes.shape[0]
    order = jnp.argsort(-scores)
    bs = jnp.take(boxes, order, axis=0)
    iou = _iou_matrix(bs)
    idx_range = jnp.arange(n)

    def body(i, keep):
        sup = (iou[i] > NMS_THRESH) & (idx_range > i) & keep[i]
        return keep & (~sup)

    keep = jax.lax.fori_loop(0, n, body, jnp.ones((n,), dtype=bool))
    rank = jnp.cumsum(keep.astype(jnp.int32)) - 1
    valid = keep & (rank < POST_NMS_TOP_N)
    scatter_idx = jnp.where(valid, rank, POST_NMS_TOP_N)  # OOB rows dropped
    out = jnp.zeros((POST_NMS_TOP_N, 4), dtype=boxes.dtype).at[scatter_idx].set(bs, mode="drop")
    return out


def reference(boxes, scores):
    # per-image greedy NMS over pre-NMS proposals (as in the RPN FPN branch),
    # then pack the top POST_NMS_TOP_N survivors into rois[B, K, 5] = (batch_idx, x1, y1, x2, y2)
    kept = jax.vmap(_nms_single)(boxes, scores)  # [B, K, 4]
    b = boxes.shape[0]
    batch_idx = jnp.broadcast_to(
        jnp.arange(b, dtype=boxes.dtype)[:, None, None], (b, POST_NMS_TOP_N, 1)
    )
    rois = jnp.concatenate([batch_idx, kept], axis=-1)
    return rois

if __name__ == "__main__":
    import jax
    _d = setup_inputs()
    print(jax.jit(kernel)(*tuple(_d.values())))

</pallas_src>

<mosaic_0001>
module attributes {stable_mosaic.version = 14 : i64} {
  func.func @_nms_body(%arg0: i32, %arg1: memref<1x8x5120xf32, #tpu.memory_space<vmem>>, %arg2: memref<1x5120x8xf32, #tpu.memory_space<vmem>>, %arg3: memref<1x1024x8xf32, #tpu.memory_space<vmem>>, %arg4: memref<1x5120xf32, #tpu.memory_space<vmem>>) attributes {dimension_semantics = [#tpu.dimension_semantics<arbitrary>], iteration_bounds = array<i64: 2>, scalar_prefetch = 0 : i64, scratch_operands = 1 : i64, tpu.core_type = #tpu.core_type<tc>, window_params = [{transform_indices = @transform_0, window_bounds = array<i64: 1, 8, 5120>}, {transform_indices = @transform_1, window_bounds = array<i64: 1, 5120, 8>}, {transform_indices = @transform_2, window_bounds = array<i64: 1, 1024, 8>}]} {
    %broadcast_in_dim3A = arith.constant 0.000000e+00 : f32
    %broadcast_in_dim3A_0 = vector.broadcast %broadcast_in_dim3A : f32 to vector<1024x8xf32>
    %swap3A = arith.constant 0 : index
    %swap3A_1 = arith.constant 0 : index
    %swap3A_2 = arith.constant 0 : index
    %swap3A_3 = vector.load %arg3[%swap3A, %swap3A_1, %swap3A_2] : memref<1x1024x8xf32, #tpu.memory_space<vmem>>, vector<1x1024x8xf32>
    %swap3A_4 = vector.shape_cast %swap3A_3 : vector<1x1024x8xf32> to vector<1024x8xf32>
    %swap3A_5 = vector.shape_cast %broadcast_in_dim3A_0 : vector<1024x8xf32> to vector<1x1024x8xf32>
    tpu.vector_store %arg3[%swap3A, %swap3A_1, %swap3A_2], %swap3A_5 {strides = array<i32>} : memref<1x1024x8xf32, #tpu.memory_space<vmem>>, vector<1x1024x8xf32>,
    %iota3A = tpu.iota {dimensions = array<i32: 0>} : vector<1024x1024xi32>
    %iota3A_6 = tpu.iota {dimensions = array<i32: 1>} : vector<1024x1024xi32>
    %lt3A = arith.cmpi slt, %iota3A, %iota3A_6 : vector<1024x1024xi32>
    %le3A = arith.cmpi sle, %iota3A, %iota3A_6 : vector<1024x1024xi32>
    %convert_element_type3A = arith.extui %le3A : vector<1024x1024xi1> to vector<1024x1024xi32>
    %convert_element_type3A_7 = arith.sitofp %convert_element_type3A : vector<1024x1024xi32> to vector<1024x1024xf32>
    %convert_element_type3A_8 = arith.truncf %convert_element_type3A_7 : vector<1024x1024xf32> to vector<1024x1024xbf16>
    %scan3A = arith.constant 0.000000e+00 : f32
    %scan3A_9 = arith.constant 0 : i32
    %scan3A_10 = arith.constant 5 : i32
    %scan3A_11 = arith.addi %scan3A_9, %scan3A_10 : i32
    %scan3A_12 = arith.constant 1 : i32
    %scan3A_13 = scf.for %scan3A_15 = %scan3A_9 to %scan3A_11 step %scan3A_12 iter_args(%scan3A_16 = %scan3A) -> (f32)  : i32 {
      %lt3A_17 = arith.constant 1.000000e+03 : f32
      %lt3A_18 = arith.cmpf olt, %scan3A_16, %lt3A_17 : f32
      %convert_element_type3A_19 = arith.extui %lt3A_18 : i1 to i32
      %cond3A = arith.constant 0 : i32
      %cond3A_20 = arith.cmpi ne, %convert_element_type3A_19, %cond3A : i32
      %cond3A_21 = scf.if %cond3A_20 -> (f32) {
        %mul3A = arith.constant 1024 : i32
        %mul3A_22 = arith.muli %scan3A_15, %mul3A : i32
        %get3A = arith.constant 0 : index
        %get3A_23 = arith.constant 0 : index
        %get3A_24 = arith.index_cast %mul3A_22 : i32 to index
        %get3A_25 = vector.load %arg1[%get3A, %get3A_23, %get3A_24] : memref<1x8x5120xf32, #tpu.memory_space<vmem>>, vector<1x8x1024xf32>
        %get3A_26 = vector.shape_cast %get3A_25 : vector<1x8x1024xf32> to vector<8x1024xf32>
        %get3A_27 = arith.constant 0 : index
        %get3A_28 = arith.index_cast %mul3A_22 : i32 to index
        %get3A_29 = arith.constant 0 : index
        %get3A_30 = vector.load %arg2[%get3A_27, %get3A_28, %get3A_29] : memref<1x5120x8xf32, #tpu.memory_space<vmem>>, vector<1x1024x8xf32>
        %get3A_31 = vector.shape_cast %get3A_30 : vector<1x1024x8xf32> to vector<1024x8xf32>
        %iota3A_32 = tpu.iota {dimensions = array<i32: 1>} : vector<1x1024xi32>
        %add3A = vector.broadcast %mul3A_22 : i32 to vector<1x1024xi32>
        %add3A_33 = arith.addi %iota3A_32, %add3A : vector<1x1024xi32>
        %broadcast_in_dim3A_34 = arith.constant 0.000000e+00 : f32
        %broadcast_in_dim3A_35 = vector.broadcast %broadcast_in_dim3A_34 : f32 to vector<1x1024xf32>
        %while3A = arith.constant 0 : i32
        %while3A_36 = arith.subi %scan3A_15, %while3A : i32
        %while3A_37 = arith.addi %while3A, %while3A_36 : i32
        %while3A_38 = arith.constant 1 : i32
        %while3A_39 = arith.divsi %while3A_36, %while3A_38 : i32
        %while3A_40 = arith.muli %while3A_39, %while3A_38 : i32
        %while3A_41 = arith.addi %while3A, %while3A_40 : i32
        %while3A_42 = arith.constant 1 : i32
        %while3A_43 = scf.for %while3A_153 = %while3A to %while3A_41 step %while3A_42 iter_args(%while3A_154 = %broadcast_in_dim3A_35) -> (vector<1x1024xf32>)  : i32 {
          %mul3A_155 = arith.constant 1024 : i32
          %mul3A_156 = arith.muli %while3A_153, %mul3A_155 : i32
          %get3A_157 = arith.constant 0 : index
          %get3A_158 = arith.index_cast %mul3A_156 : i32 to index
          %get3A_159 = arith.constant 0 : index
          %get3A_160 = vector.load %arg2[%get3A_157, %get3A_158, %get3A_159] : memref<1x5120x8xf32, #tpu.memory_space<vmem>>, vector<1x1024x8xf32>
          %get3A_161 = vector.shape_cast %get3A_160 : vector<1x1024x8xf32> to vector<1024x8xf32>
          %get3A_162 = arith.constant 0 : index
          %get3A_163 = arith.index_cast %mul3A_156 : i32 to index
          %get3A_164 = vector.load %arg4[%get3A_162, %get3A_163] : memref<1x5120xf32, #tpu.memory_space<vmem>>, vector<1x1024xf32>
          %convert_element_type3A_165 = arith.truncf %get3A_164 : vector<1x1024xf32> to vector<1x1024xbf16>
          %slice3A_166 = vector.extract_strided_slice %get3A_161 {offsets = [0, 0], sizes = [1024, 1], strides = [1, 1]} : vector<1024x8xf32> to vector<1024x1xf32>
          %slice3A_167 = vector.extract_strided_slice %get3A_161 {offsets = [0, 1], sizes = [1024, 1], strides = [1, 1]} : vector<1024x8xf32> to vector<1024x1xf32>
          %slice3A_168 = vector.extract_strided_slice %get3A_161 {offsets = [0, 2], sizes = [1024, 1], strides = [1, 1]} : vector<1024x8xf32> to vector<1024x1xf32>
          %slice3A_169 = vector.extract_strided_slice %get3A_161 {offsets = [0, 3], sizes = [1024, 1], strides = [1, 1]} : vector<1024x8xf32> to vector<1024x1xf32>
          %slice3A_170 = vector.extract_strided_slice %get3A_26 {offsets = [0, 0], sizes = [1, 1024], strides = [1, 1]} : vector<8x1024xf32> to vector<1x1024xf32>
          %slice3A_171 = vector.extract_strided_slice %get3A_26 {offsets = [1, 0], sizes = [1, 1024], strides = [1, 1]} : vector<8x1024xf32> to vector<1x1024xf32>
          %slice3A_172 = vector.extract_strided_slice %get3A_26 {offsets = [2, 0], sizes = [1, 1024], strides = [1, 1]} : vector<8x1024xf32> to vector<1x1024xf32>
          %slice3A_173 = vector.extract_strided_slice %get3A_26 {offsets = [3, 0], sizes = [1, 1024], strides = [1, 1]} : vector<8x1024xf32> to vector<1x1024xf32>
          %sub3A_174 = arith.subf %slice3A_168, %slice3A_166 : vector<1024x1xf32>
          %sub3A_175 = arith.subf %slice3A_169, %slice3A_167 : vector<1024x1xf32>
          %mul3A_176 = arith.mulf %sub3A_174, %sub3A_175 : vector<1024x1xf32>
          %sub3A_177 = arith.subf %slice3A_172, %slice3A_170 : vector<1x1024xf32>
          %sub3A_178 = arith.subf %slice3A_173, %slice3A_171 : vector<1x1024xf32>
          %mul3A_179 = arith.mulf %sub3A_177, %sub3A_178 : vector<1x1024xf32>
          %max3A_180 = vector.broadcast %slice3A_166 : vector<1024x1xf32> to vector<1024x1024xf32>
          %max3A_181 = vector.broadcast %slice3A_170 : vector<1x1024xf32> to vector<1024x1024xf32>
          %max3A_182 = arith.maximumf %max3A_180, %max3A_181 : vector<1024x1024xf32>
          %max3A_183 = vector.broadcast %slice3A_167 : vector<1024x1xf32> to vector<1024x1024xf32>
          %max3A_184 = vector.broadcast %slice3A_171 : vector<1x1024xf32> to vector<1024x1024xf32>
          %max3A_185 = arith.maximumf %max3A_183, %max3A_184 : vector<1024x1024xf32>
          %min3A_186 = vector.broadcast %slice3A_168 : vector<1024x1xf32> to vector<1024x1024xf32>
          %min3A_187 = vector.broadcast %slice3A_172 : vector<1x1024xf32> to vector<1024x1024xf32>
          %min3A_188 = arith.minimumf %min3A_186, %min3A_187 : vector<1024x1024xf32>
          %min3A_189 = vector.broadcast %slice3A_169 : vector<1024x1xf32> to vector<1024x1024xf32>
          %min3A_190 = vector.broadcast %slice3A_173 : vector<1x1024xf32> to vector<1024x1024xf32>
          %min3A_191 = arith.minimumf %min3A_189, %min3A_190 : vector<1024x1024xf32>
          %sub3A_192 = arith.subf %min3A_188, %max3A_182 : vector<1024x1024xf32>
          %jit3A_193 = arith.constant 0.000000e+00 : f32
          %max3A_194 = vector.broadcast %jit3A_193 : f32 to vector<1024x1024xf32>
          %max3A_195 = arith.maximumf %max3A_194, %sub3A_192 : vector<1024x1024xf32>
          %sub3A_196 = arith.subf %min3A_191, %max3A_185 : vector<1024x1024xf32>
          %jit3A_197 = arith.constant 0.000000e+00 : f32
          %max3A_198 = vector.broadcast %jit3A_197 : f32 to vector<1024x1024xf32>
          %max3A_199 = arith.maximumf %max3A_198, %sub3A_196 : vector<1024x1024xf32>
          %mul3A_200 = arith.mulf %max3A_195, %max3A_199 : vector<1024x1024xf32>
          %add3A_201 = vector.broadcast %mul3A_176 : vector<1024x1xf32> to vector<1024x1024xf32>
          %add3A_202 = vector.broadcast %mul3A_179 : vector<1x1024xf32> to vector<1024x1024xf32>
          %add3A_203 = arith.addf %add3A_201, %add3A_202 : vector<1024x1024xf32>
          %sub3A_204 = arith.subf %add3A_203, %mul3A_200 : vector<1024x1024xf32>
          %add3A_205 = arith.constant 9.99999971E-10 : f32
          %add3A_206 = vector.broadcast %add3A_205 : f32 to vector<1024x1024xf32>
          %add3A_207 = arith.addf %sub3A_204, %add3A_206 : vector<1024x1024xf32>
          %div3A_208 = arith.divf %mul3A_200, %add3A_207 : vector<1024x1024xf32>
          %gt3A_209 = arith.constant 0.699999988 : f32
          %gt3A_210 = vector.broadcast %gt3A_209 : f32 to vector<1024x1024xf32>
          %gt3A_211 = arith.cmpf ogt, %div3A_208, %gt3A_210 : vector<1024x1024xf32>
          %convert_element_type3A_212 = arith.extui %gt3A_211 : vector<1024x1024xi1> to vector<1024x1024xi32>
          %convert_element_type3A_213 = arith.sitofp %convert_element_type3A_212 : vector<1024x1024xi32> to vector<1024x1024xf32>
          %convert_element_type3A_214 = arith.truncf %convert_element_type3A_213 : vector<1024x1024xf32> to vector<1024x1024xbf16>
          %dot_general3A_215 = arith.constant dense<0.000000e+00> : vector<1x1024xf32>
          %dot_general3A_216 = tpu.matmul %convert_element_type3A_165, %convert_element_type3A_214, %dot_general3A_215 {dimension_numbers = #tpu.dot_dimension_numbers<[1], [0], [0], [1], [0, 0, 1, 1], [], []>, transpose_lhs_hint = false} : vector<1x1024xbf16>, vector<1024x1024xbf16>, vector<1x1024xf32> -> vector<1x1024xf32>
          %add3A_217 = arith.addf %while3A_154, %dot_general3A_216 : vector<1x1024xf32>
          scf.yield %add3A_217 : vector<1x1024xf32>
        }
        %while3A_44 = arith.constant 1 : i32
        %while3A_45 = scf.for %while3A_153 = %while3A_41 to %while3A_37 step %while3A_44 iter_args(%while3A_154 = %while3A_43) -> (vector<1x1024xf32>)  : i32 {
          %mul3A_155 = arith.constant 1024 : i32
          %mul3A_156 = arith.muli %while3A_153, %mul3A_155 : i32
          %get3A_157 = arith.constant 0 : index
          %get3A_158 = arith.index_cast %mul3A_156 : i32 to index
          %get3A_159 = arith.constant 0 : index
          %get3A_160 = vector.load %arg2[%get3A_157, %get3A_158, %get3A_159] : memref<1x5120x8xf32, #tpu.memory_space<vmem>>, vector<1x1024x8xf32>
          %get3A_161 = vector.shape_cast %get3A_160 : vector<1x1024x8xf32> to vector<1024x8xf32>
          %get3A_162 = arith.constant 0 : index
          %get3A_163 = arith.index_cast %mul3A_156 : i32 to index
          %get3A_164 = vector.load %arg4[%get3A_162, %get3A_163] : memref<1x5120xf32, #tpu.memory_space<vmem>>, vector<1x1024xf32>
          %convert_element_type3A_165 = arith.truncf %get3A_164 : vector<1x1024xf32> to vector<1x1024xbf16>
          %slice3A_166 = vector.extract_strided_slice %get3A_161 {offsets = [0, 0], sizes = [1024, 1], strides = [1, 1]} : vector<1024x8xf32> to vector<1024x1xf32>
          %slice3A_167 = vector.extract_strided_slice %get3A_161 {offsets = [0, 1], sizes = [1024, 1], strides = [1, 1]} : vector<1024x8xf32> to vector<1024x1xf32>
          %slice3A_168 = vector.extract_strided_slice %get3A_161 {offsets = [0, 2], sizes = [1024, 1], strides = [1, 1]} : vector<1024x8xf32> to vector<1024x1xf32>
          %slice3A_169 = vector.extract_strided_slice %get3A_161 {offsets = [0, 3], sizes = [1024, 1], strides = [1, 1]} : vector<1024x8xf32> to vector<1024x1xf32>
          %slice3A_170 = vector.extract_strided_slice %get3A_26 {offsets = [0, 0], sizes = [1, 1024], strides = [1, 1]} : vector<8x1024xf32> to vector<1x1024xf32>
          %slice3A_171 = vector.extract_strided_slice %get3A_26 {offsets = [1, 0], sizes = [1, 1024], strides = [1, 1]} : vector<8x1024xf32> to vector<1x1024xf32>
          %slice3A_172 = vector.extract_strided_slice %get3A_26 {offsets = [2, 0], sizes = [1, 1024], strides = [1, 1]} : vector<8x1024xf32> to vector<1x1024xf32>
          %slice3A_173 = vector.extract_strided_slice %get3A_26 {offsets = [3, 0], sizes = [1, 1024], strides = [1, 1]} : vector<8x1024xf32> to vector<1x1024xf32>
          %sub3A_174 = arith.subf %slice3A_168, %slice3A_166 : vector<1024x1xf32>
          %sub3A_175 = arith.subf %slice3A_169, %slice3A_167 : vector<1024x1xf32>
          %mul3A_176 = arith.mulf %sub3A_174, %sub3A_175 : vector<1024x1xf32>
          %sub3A_177 = arith.subf %slice3A_172, %slice3A_170 : vector<1x1024xf32>
          %sub3A_178 = arith.subf %slice3A_173, %slice3A_171 : vector<1x1024xf32>
          %mul3A_179 = arith.mulf %sub3A_177, %sub3A_178 : vector<1x1024xf32>
          %max3A_180 = vector.broadcast %slice3A_166 : vector<1024x1xf32> to vector<1024x1024xf32>
          %max3A_181 = vector.broadcast %slice3A_170 : vector<1x1024xf32> to vector<1024x1024xf32>
          %max3A_182 = arith.maximumf %max3A_180, %max3A_181 : vector<1024x1024xf32>
          %max3A_183 = vector.broadcast %slice3A_167 : vector<1024x1xf32> to vector<1024x1024xf32>
          %max3A_184 = vector.broadcast %slice3A_171 : vector<1x1024xf32> to vector<1024x1024xf32>
          %max3A_185 = arith.maximumf %max3A_183, %max3A_184 : vector<1024x1024xf32>
          %min3A_186 = vector.broadcast %slice3A_168 : vector<1024x1xf32> to vector<1024x1024xf32>
          %min3A_187 = vector.broadcast %slice3A_172 : vector<1x1024xf32> to vector<1024x1024xf32>
          %min3A_188 = arith.minimumf %min3A_186, %min3A_187 : vector<1024x1024xf32>
          %min3A_189 = vector.broadcast %slice3A_169 : vector<1024x1xf32> to vector<1024x1024xf32>
          %min3A_190 = vector.broadcast %slice3A_173 : vector<1x1024xf32> to vector<1024x1024xf32>
          %min3A_191 = arith.minimumf %min3A_189, %min3A_190 : vector<1024x1024xf32>
          %sub3A_192 = arith.subf %min3A_188, %max3A_182 : vector<1024x1024xf32>
          %jit3A_193 = arith.constant 0.000000e+00 : f32
          %max3A_194 = vector.broadcast %jit3A_193 : f32 to vector<1024x1024xf32>
          %max3A_195 = arith.maximumf %max3A_194, %sub3A_192 : vector<1024x1024xf32>
          %sub3A_196 = arith.subf %min3A_191, %max3A_185 : vector<1024x1024xf32>
          %jit3A_197 = arith.constant 0.000000e+00 : f32
          %max3A_198 = vector.broadcast %jit3A_197 : f32 to vector<1024x1024xf32>
          %max3A_199 = arith.maximumf %max3A_198, %sub3A_196 : vector<1024x1024xf32>
          %mul3A_200 = arith.mulf %max3A_195, %max3A_199 : vector<1024x1024xf32>
          %add3A_201 = vector.broadcast %mul3A_176 : vector<1024x1xf32> to vector<1024x1024xf32>
          %add3A_202 = vector.broadcast %mul3A_179 : vector<1x1024xf32> to vector<1024x1024xf32>
          %add3A_203 = arith.addf %add3A_201, %add3A_202 : vector<1024x1024xf32>
          %sub3A_204 = arith.subf %add3A_203, %mul3A_200 : vector<1024x1024xf32>
          %add3A_205 = arith.constant 9.99999971E-10 : f32
          %add3A_206 = vector.broadcast %add3A_205 : f32 to vector<1024x1024xf32>
          %add3A_207 = arith.addf %sub3A_204, %add3A_206 : vector<1024x1024xf32>
          %div3A_208 = arith.divf %mul3A_200, %add3A_207 : vector<1024x1024xf32>
          %gt3A_209 = arith.constant 0.699999988 : f32
          %gt3A_210 = vector.broadcast %gt3A_209 : f32 to vector<1024x1024xf32>
          %gt3A_211 = arith.cmpf ogt, %div3A_208, %gt3A_210 : vector<1024x1024xf32>
          %convert_element_type3A_212 = arith.extui %gt3A_211 : vector<1024x1024xi1> to vector<1024x1024xi32>
          %convert_element_type3A_213 = arith.sitofp %convert_element_type3A_212 : vector<1024x1024xi32> to vector<1024x1024xf32>
          %convert_element_type3A_214 = arith.truncf %convert_element_type3A_213 : vector<1024x1024xf32> to vector<1024x1024xbf16>
          %dot_general3A_215 = arith.constant dense<0.000000e+00> : vector<1x1024xf32>
          %dot_general3A_216 = tpu.matmul %convert_element_type3A_165, %convert_element_type3A_214, %dot_general3A_215 {dimension_numbers = #tpu.dot_dimension_numbers<[1], [0], [0], [1], [0, 0, 1, 1], [], []>, transpose_lhs_hint = false} : vector<1x1024xbf16>, vector<1024x1024xbf16>, vector<1x1024xf32> -> vector<1x1024xf32>
          %add3A_217 = arith.addf %while3A_154, %dot_general3A_216 : vector<1x1024xf32>
          scf.yield %add3A_217 : vector<1x1024xf32>
        }
        %lt3A_46 = arith.constant 5.000000e-01 : f32
        %lt3A_47 = vector.broadcast %lt3A_46 : f32 to vector<1x1024xf32>
        %lt3A_48 = arith.cmpf olt, %while3A_45, %lt3A_47 : vector<1x1024xf32>
        %lt3A_49 = arith.constant 5000 : i32
        %lt3A_50 = vector.broadcast %lt3A_49 : i32 to vector<1x1024xi32>
        %lt3A_51 = arith.cmpi slt, %add3A_33, %lt3A_50 : vector<1x1024xi32>
        %and3A = arith.andi %lt3A_48, %lt3A_51 : vector<1x1024xi1>
        %jit3A = arith.constant 1.000000e+00 : f32
        %jit3A_52 = arith.constant 0.000000e+00 : f32
        %broadcast_in_dim3A_53 = vector.broadcast %jit3A : f32 to vector<1x1024xf32>
        %broadcast_in_dim3A_54 = vector.broadcast %jit3A_52 : f32 to vector<1x1024xf32>
        %select_n3A = arith.select %and3A, %broadcast_in_dim3A_53, %broadcast_in_dim3A_54 : vector<1x1024xi1>, vector<1x1024xf32>
        %slice3A = vector.extract_strided_slice %get3A_31 {offsets = [0, 0], sizes = [1024, 1], strides = [1, 1]} : vector<1024x8xf32> to vector<1024x1xf32>
        %slice3A_55 = vector.extract_strided_slice %get3A_31 {offsets = [0, 1], sizes = [1024, 1], strides = [1, 1]} : vector<1024x8xf32> to vector<1024x1xf32>
        %slice3A_56 = vector.extract_strided_slice %get3A_31 {offsets = [0, 2], sizes = [1024, 1], strides = [1, 1]} : vector<1024x8xf32> to vector<1024x1xf32>
        %slice3A_57 = vector.extract_strided_slice %get3A_31 {offsets = [0, 3], sizes = [1024, 1], strides = [1, 1]} : vector<1024x8xf32> to vector<1024x1xf32>
        %slice3A_58 = vector.extract_strided_slice %get3A_26 {offsets = [0, 0], sizes = [1, 1024], strides = [1, 1]} : vector<8x1024xf32> to vector<1x1024xf32>
        %slice3A_59 = vector.extract_strided_slice %get3A_26 {offsets = [1, 0], sizes = [1, 1024], strides = [1, 1]} : vector<8x1024xf32> to vector<1x1024xf32>
        %slice3A_60 = vector.extract_strided_slice %get3A_26 {offsets = [2, 0], sizes = [1, 1024], strides = [1, 1]} : vector<8x1024xf32> to vector<1x1024xf32>
        %slice3A_61 = vector.extract_strided_slice %get3A_26 {offsets = [3, 0], sizes = [1, 1024], strides = [1, 1]} : vector<8x1024xf32> to vector<1x1024xf32>
        %sub3A = arith.subf %slice3A_56, %slice3A : vector<1024x1xf32>
        %sub3A_62 = arith.subf %slice3A_57, %slice3A_55 : vector<1024x1xf32>
        %mul3A_63 = arith.mulf %sub3A, %sub3A_62 : vector<1024x1xf32>
        %sub3A_64 = arith.subf %slice3A_60, %slice3A_58 : vector<1x1024xf32>
        %sub3A_65 = arith.subf %slice3A_61, %slice3A_59 : vector<1x1024xf32>
        %mul3A_66 = arith.mulf %sub3A_64, %sub3A_65 : vector<1x1024xf32>
        %max3A = vector.broadcast %slice3A : vector<1024x1xf32> to vector<1024x1024xf32>
        %max3A_67 = vector.broadcast %slice3A_58 : vector<1x1024xf32> to vector<1024x1024xf32>
        %max3A_68 = arith.maximumf %max3A, %max3A_67 : vector<1024x1024xf32>
        %max3A_69 = vector.broadcast %slice3A_55 : vector<1024x1xf32> to vector<1024x1024xf32>
        %max3A_70 = vector.broadcast %slice3A_59 : vector<1x1024xf32> to vector<1024x1024xf32>
        %max3A_71 = arith.maximumf %max3A_69, %max3A_70 : vector<1024x1024xf32>
        %min3A = vector.broadcast %slice3A_56 : vector<1024x1xf32> to vector<1024x1024xf32>
        %min3A_72 = vector.broadcast %slice3A_60 : vector<1x1024xf32> to vector<1024x1024xf32>
        %min3A_73 = arith.minimumf %min3A, %min3A_72 : vector<1024x1024xf32>
        %min3A_74 = vector.broadcast %slice3A_57 : vector<1024x1xf32> to vector<1024x1024xf32>
        %min3A_75 = vector.broadcast %slice3A_61 : vector<1x1024xf32> to vector<1024x1024xf32>
        %min3A_76 = arith.minimumf %min3A_74, %min3A_75 : vector<1024x1024xf32>
        %sub3A_77 = arith.subf %min3A_73, %max3A_68 : vector<1024x1024xf32>
        %jit3A_78 = arith.constant 0.000000e+00 : f32
        %max3A_79 = vector.broadcast %jit3A_78 : f32 to vector<1024x1024xf32>
        %max3A_80 = arith.maximumf %max3A_79, %sub3A_77 : vector<1024x1024xf32>
        %sub3A_81 = arith.subf %min3A_76, %max3A_71 : vector<1024x1024xf32>
        %jit3A_82 = arith.constant 0.000000e+00 : f32
        %max3A_83 = vector.broadcast %jit3A_82 : f32 to vector<1024x1024xf32>
        %max3A_84 = arith.maximumf %max3A_83, %sub3A_81 : vector<1024x1024xf32>
        %mul3A_85 = arith.mulf %max3A_80, %max3A_84 : vector<1024x1024xf32>
        %add3A_86 = vector.broadcast %mul3A_63 : vector<1024x1xf32> to vector<1024x1024xf32>
        %add3A_87 = vector.broadcast %mul3A_66 : vector<1x1024xf32> to vector<1024x1024xf32>
        %add3A_88 = arith.addf %add3A_86, %add3A_87 : vector<1024x1024xf32>
        %sub3A_89 = arith.subf %add3A_88, %mul3A_85 : vector<1024x1024xf32>
        %add3A_90 = arith.constant 9.99999971E-10 : f32
        %add3A_91 = vector.broadcast %add3A_90 : f32 to vector<1024x1024xf32>
        %add3A_92 = arith.addf %sub3A_89, %add3A_91 : vector<1024x1024xf32>
        %div3A = arith.divf %mul3A_85, %add3A_92 : vector<1024x1024xf32>
        %gt3A = arith.constant 0.699999988 : f32
        %gt3A_93 = vector.broadcast %gt3A : f32 to vector<1024x1024xf32>
        %gt3A_94 = arith.cmpf ogt, %div3A, %gt3A_93 : vector<1024x1024xf32>
        %and3A_95 = arith.andi %gt3A_94, %lt3A : vector<1024x1024xi1>
        %convert_element_type3A_96 = arith.extui %and3A_95 : vector<1024x1024xi1> to vector<1024x1024xi32>
        %convert_element_type3A_97 = arith.sitofp %convert_element_type3A_96 : vector<1024x1024xi32> to vector<1024x1024xf32>
        %convert_element_type3A_98 = arith.truncf %convert_element_type3A_97 : vector<1024x1024xf32> to vector<1024x1024xbf16>
        %while3A_99 = arith.constant true
        %while3A_100:2 = scf.while (%while3A_153 = %select_n3A, %while3A_154 = %while3A_99) : (vector<1x1024xf32>, i1) -> (vector<1x1024xf32>, i1) {
          scf.condition(%while3A_154) %while3A_153, %while3A_154 : vector<1x1024xf32>, i1
        } do {
        ^bb0(%while3A_153: vector<1x1024xf32>, %while3A_154: i1):
          %convert_element_type3A_155 = arith.truncf %while3A_153 : vector<1x1024xf32> to vector<1x1024xbf16>
          %dot_general3A_156 = arith.constant dense<0.000000e+00> : vector<1x1024xf32>
          %dot_general3A_157 = tpu.matmul %convert_element_type3A_155, %convert_element_type3A_98, %dot_general3A_156 {dimension_numbers = #tpu.dot_dimension_numbers<[1], [0], [0], [1], [0, 0, 1, 1], [], []>, transpose_lhs_hint = false} : vector<1x1024xbf16>, vector<1024x1024xbf16>, vector<1x1024xf32> -> vector<1x1024xf32>
          %gt3A_158 = arith.constant 5.000000e-01 : f32
          %gt3A_159 = vector.broadcast %gt3A_158 : f32 to vector<1x1024xf32>
          %gt3A_160 = arith.cmpf ogt, %dot_general3A_157, %gt3A_159 : vector<1x1024xf32>
          %jit3A_161 = arith.constant 0.000000e+00 : f32
          %broadcast_in_dim3A_162 = vector.broadcast %jit3A_161 : f32 to vector<1x1024xf32>
          %select_n3A_163 = arith.select %gt3A_160, %broadcast_in_dim3A_162, %select_n3A : vector<1x1024xi1>, vector<1x1024xf32>
          %ne3A = arith.cmpf one, %select_n3A_163, %while3A_153 : vector<1x1024xf32>
          %reduce_or3A = arith.constant 1.000000e+00 : f32
          %reduce_or3A_164 = arith.constant 0.000000e+00 : f32
          %reduce_or3A_165 = vector.broadcast %reduce_or3A : f32 to vector<1x1024xf32>
          %reduce_or3A_166 = vector.broadcast %reduce_or3A_164 : f32 to vector<1x1024xf32>
          %reduce_or3A_167 = arith.select %ne3A, %reduce_or3A_165, %reduce_or3A_166 : vector<1x1024xi1>, vector<1x1024xf32>
          %reduce_or3A_168 = vector.shape_cast %reduce_or3A_167 : vector<1x1024xf32> to vector<1x1x1024xf32>
          %reduce_or3A_169 = arith.constant dense<0xFF800000> : vector<1xf32>
          %reduce_or3A_170 = vector.multi_reduction <maximumf>, %reduce_or3A_168, %reduce_or3A_169 [1, 2] : vector<1x1x1024xf32> to vector<1xf32>
          %reduce_or3A_171 = vector.shape_cast %reduce_or3A_170 : vector<1xf32> to vector<1x1x1xf32>
          %reduce_or3A_172 = vector.extract %reduce_or3A_171[0, 0, 0] : f32 from vector<1x1x1xf32>
          %reduce_or3A_173 = arith.constant 0.000000e+00 : f32
          %reduce_or3A_174 = arith.cmpf ogt, %reduce_or3A_172, %reduce_or3A_173 : f32
          scf.yield %select_n3A_163, %reduce_or3A_174 : vector<1x1024xf32>, i1
        }
        %swap3A_101 = arith.constant 0 : index
        %swap3A_102 = arith.index_cast %mul3A_22 : i32 to index
        %swap3A_103 = vector.load %arg4[%swap3A_101, %swap3A_102] : memref<1x5120xf32, #tpu.memory_space<vmem>>, vector<1x1024xf32>
        tpu.vector_store %arg4[%swap3A_101, %swap3A_102], %while3A_100#0 {strides = array<i32>} : memref<1x5120xf32, #tpu.memory_space<vmem>>, vector<1x1024xf32>,
        %convert_element_type3A_104 = arith.truncf %while3A_100#0 : vector<1x1024xf32> to vector<1x1024xbf16>
        %dot_general3A = arith.constant dense<0.000000e+00> : vector<1x1024xf32>
        %dot_general3A_105 = tpu.matmul %convert_element_type3A_104, %convert_element_type3A_8, %dot_general3A {dimension_numbers = #tpu.dot_dimension_numbers<[1], [0], [0], [1], [0, 0, 1, 1], [], []>, transpose_lhs_hint = false} : vector<1x1024xbf16>, vector<1024x1024xbf16>, vector<1x1024xf32> -> vector<1x1024xf32>
        %sub3A_106 = arith.constant 1.000000e+00 : f32
        %sub3A_107 = vector.broadcast %sub3A_106 : f32 to vector<1x1024xf32>
        %sub3A_108 = arith.subf %dot_general3A_105, %sub3A_107 : vector<1x1024xf32>
        %add3A_109 = vector.broadcast %scan3A_16 : f32 to vector<1x1024xf32>
        %add3A_110 = arith.addf %sub3A_108, %add3A_109 : vector<1x1024xf32>
        %gt3A_111 = arith.constant 5.000000e-01 : f32
        %gt3A_112 = vector.broadcast %gt3A_111 : f32 to vector<1x1024xf32>
        %gt3A_113 = arith.cmpf ogt, %while3A_100#0, %gt3A_112 : vector<1x1024xf32>
        %lt3A_114 = arith.constant 1.000000e+03 : f32
        %lt3A_115 = vector.broadcast %lt3A_114 : f32 to vector<1x1024xf32>
        %lt3A_116 = arith.cmpf olt, %add3A_110, %lt3A_115 : vector<1x1024xf32>
        %and3A_117 = arith.andi %gt3A_113, %lt3A_116 : vector<1x1024xi1>
        %jit3A_118 = arith.constant -1.000000e+00 : f32
        %broadcast_in_dim3A_119 = vector.broadcast %jit3A_118 : f32 to vector<1x1024xf32>
        %select_n3A_120 = arith.select %and3A_117, %add3A_110, %broadcast_in_dim3A_119 : vector<1x1024xi1>, vector<1x1024xf32>
        %convert_element_type3A_121 = arith.fptosi %select_n3A_120 : vector<1x1024xf32> to vector<1x1024xi32>
        %iota3A_122 = tpu.iota {dimensions = array<i32: 0>} : vector<1024x1024xi32>
        %eq3A = vector.broadcast %convert_element_type3A_121 : vector<1x1024xi32> to vector<1024x1024xi32>
        %eq3A_123 = arith.cmpi eq, %iota3A_122, %eq3A : vector<1024x1024xi32>
        %convert_element_type3A_124 = arith.extui %eq3A_123 : vector<1024x1024xi1> to vector<1024x1024xi32>
        %convert_element_type3A_125 = arith.sitofp %convert_element_type3A_124 : vector<1024x1024xi32> to vector<1024x1024xf32>
        %convert_element_type3A_126 = arith.truncf %convert_element_type3A_125 : vector<1024x1024xf32> to vector<1024x1024xbf16>
        %convert_element_type3A_127 = arith.truncf %get3A_31 : vector<1024x8xf32> to vector<1024x8xbf16>
        %convert_element_type3A_128 = arith.extf %convert_element_type3A_127 : vector<1024x8xbf16> to vector<1024x8xf32>
        %sub3A_129 = arith.subf %get3A_31, %convert_element_type3A_128 : vector<1024x8xf32>
        %convert_element_type3A_130 = arith.truncf %sub3A_129 : vector<1024x8xf32> to vector<1024x8xbf16>
        %get3A_131 = arith.constant 0 : index
        %get3A_132 = arith.constant 0 : index
        %get3A_133 = arith.constant 0 : index
        %get3A_134 = vector.load %arg3[%get3A_131, %get3A_132, %get3A_133] : memref<1x1024x8xf32, #tpu.memory_space<vmem>>, vector<1x1024x8xf32>
        %get3A_135 = vector.shape_cast %get3A_134 : vector<1x1024x8xf32> to vector<1024x8xf32>
        %dot_general3A_136 = arith.constant dense<0.000000e+00> : vector<1024x8xf32>
        %dot_general3A_137 = tpu.matmul %convert_element_type3A_126, %convert_element_type3A_127, %dot_general3A_136 {dimension_numbers = #tpu.dot_dimension_numbers<[1], [0], [0], [1], [0, 0, 1, 1], [], []>, transpose_lhs_hint = false} : vector<1024x1024xbf16>, vector<1024x8xbf16>, vector<1024x8xf32> -> vector<1024x8xf32>
        %dot_general3A_138 = arith.constant dense<0.000000e+00> : vector<1024x8xf32>
        %dot_general3A_139 = tpu.matmul %convert_element_type3A_126, %convert_element_type3A_130, %dot_general3A_138 {dimension_numbers = #tpu.dot_dimension_numbers<[1], [0], [0], [1], [0, 0, 1, 1], [], []>, transpose_lhs_hint = false} : vector<1024x1024xbf16>, vector<1024x8xbf16>, vector<1024x8xf32> -> vector<1024x8xf32>
        %add3A_140 = arith.addf %dot_general3A_137, %dot_general3A_139 : vector<1024x8xf32>
        %add3A_141 = arith.addf %get3A_135, %add3A_140 : vector<1024x8xf32>
        %swap3A_142 = arith.constant 0 : index
        %swap3A_143 = arith.constant 0 : index
        %swap3A_144 = arith.constant 0 : index
        %swap3A_145 = vector.load %arg3[%swap3A_142, %swap3A_143, %swap3A_144] : memref<1x1024x8xf32, #tpu.memory_space<vmem>>, vector<1x1024x8xf32>
        %swap3A_146 = vector.shape_cast %swap3A_145 : vector<1x1024x8xf32> to vector<1024x8xf32>
        %swap3A_147 = vector.shape_cast %add3A_141 : vector<1024x8xf32> to vector<1x1024x8xf32>
        tpu.vector_store %arg3[%swap3A_142, %swap3A_143, %swap3A_144], %swap3A_147 {strides = array<i32>} : memref<1x1024x8xf32, #tpu.memory_space<vmem>>, vector<1x1024x8xf32>,
        %reduce_sum3A = vector.shape_cast %while3A_100#0 : vector<1x1024xf32> to vector<1x1x1024xf32>
        %reduce_sum3A_148 = arith.constant dense<0.000000e+00> : vector<1xf32>
        %reduce_sum3A_149 = vector.multi_reduction <add>, %reduce_sum3A, %reduce_sum3A_148 [1, 2] : vector<1x1x1024xf32> to vector<1xf32>
        %reduce_sum3A_150 = vector.shape_cast %reduce_sum3A_149 : vector<1xf32> to vector<1x1x1xf32>
        %reduce_sum3A_151 = vector.extract %reduce_sum3A_150[0, 0, 0] : f32 from vector<1x1x1xf32>
        %add3A_152 = arith.addf %scan3A_16, %reduce_sum3A_151 : f32
        scf.yield %add3A_152 : f32
      } else {
        scf.yield %scan3A_16 : f32
      }
      scf.yield %cond3A_21 : f32
    }
    %scan3A_14 = arith.constant 5 : i32
    return
  }
  func.func @transform_0(%arg0: i32) -> (i32, i32, i32) {
    %c0_i32 = arith.constant 0 : i32
    %c0_i32_0 = arith.constant 0 : i32
    %c0_i32_1 = arith.constant 0 : i32
    return %arg0, %c0_i32, %c0_i32_0 : i32, i32, i32
  }
  func.func @transform_1(%arg0: i32) -> (i32, i32, i32) {
    %c0_i32 = arith.constant 0 : i32
    %c0_i32_0 = arith.constant 0 : i32
    %c0_i32_1 = arith.constant 0 : i32
    return %arg0, %c0_i32, %c0_i32_0 : i32, i32, i32
  }
  func.func @transform_2(%arg0: i32) -> (i32, i32, i32) {
    %c0_i32 = arith.constant 0 : i32
    %c0_i32_0 = arith.constant 0 : i32
    %c0_i32_1 = arith.constant 0 : i32
    return %arg0, %c0_i32, %c0_i32_0 : i32, i32, i32
  }
}

</mosaic_0001>

<sc_bundles>
// kernel: gather_offload_async_start
scs
__scs_entry_jumppad:
0x0: {  	(pc) =	sbr.rel $0x88, $3  }
0x1: {  	(tag) =	ssettag $0x0;
	lr =	simm.s32 $0x1  }
0x2: {  	[smem:$0x3F9F] =	sst lr;
	_ =	strace $0xD0000000  }
0x3: {  	_ = 	snop  }
0x4: {  	_ = 	snop  }
0x5: {  	_ = 	snop  }
0x6: {  	_ = 	snop  }
0x7: {  	_ = 	snop  }
__scs_overlays_trampoline_lowered:
0x8: {  	[smem:$0x3FAE] =	sst s0  }
0x9: {  	[smem:$0x3FAF] =	sst s1  }
0xa: {  	[smem:$0x3FB0] =	sst s2  }
0xb: {  	[smem:$0x3FB1] =	sst s3  }
0xc: {  	[smem:$0x3FB2] =	sst s4  }
0xd: {  	[smem:$0x3FB3] =	sst s5  }
0xe: {  	[smem:$0x3FB4] =	sst s6  }
0xf: {  	[smem:$0x3FB5] =	sst s7  }
0x10: {  	[smem:$0x3FB6] =	sst s8  }
0x11: {  	[smem:$0x3FB7] =	sst s9;
	s0 =	simm.s32 @!p0 $0x0  }
0x12: {  	s1 =	sld [smem:$0x3F9D];
	s0 =	simm.s32 @p0 $0x1  }
0x13: {  	[smem:$0x3FB8] =	sst s0;
	s0 =	simm.s32 @!p1 $0x0  }
0x14: {  	s2 =	sld [smem:$0x3F9C];
	s0 =	simm.s32 @p1 $0x1  }
0x15: {  	[smem:$0x3FB9] =	sst s0;
	s0 =	simm.s32 @!p2 $0x0  }
0x16: {  	s3 =	sld [smem:$0x3FDB];
	s0 =	simm.s32 @p2 $0x1  }
0x17: {  	s4 =	simm.s32 $0x1BF5;
	[smem:$0x3FBB] =	sst s0  }
0x18: {  	s0 =	sld [smem:$0x3F9E];
	_ =	swait.ge [sflag:s4], $0x0  }
0x19: {  	s7 =	sld [smem:$0x3F9F]  }
0x1a: {  	s8 =	sadd.s32 $0xFFFFE003, lr  }
0x1b: {  	s9 =	sadd.s32 $0xFFFFFEF7, lr;
	s5 =	simm.s32 $0xFFFFFFFF;
	p2 =	slt.u32 s8, $0xFFFFF086  }
0x1c: {  	p1 =	slt.u32 s9, $0xF7A;
	s5 =	simm.s32 @!p2 $0x0  }
0x1d: {  	s5 =	simm.s32 @p1 $0x1;
	p0 =	seq.s32 s7, s2  }
0x1e: {  	s7 =	smul.u32 @!p0 $0xF7A, s2;
	p2 =	seq.s32 @!p0 s5, $0x0  }
0x1f: {  	s9 =	smul.u32 $0xF7A, s1;
	s8 =	simm.s32 @!p0 $0x1BF5;
	p2 =	por !p2, p0  }
0x20: {  	[sflag:s8] =	ssyncset.s32 @!p0 $0xFFFFF086;
	s6 =	sadd.s32 @!p0 s3, s7;
	s7 =	simm.s32 @!p0 $0x108  }
0x21: {  	s3 =	sadd.s32 s3, s9;
	s6 =	sadd.s32 @!p0 $0x88, s6;
	s7 =	simm.s32 @p2 $0x1082  }
0x22: {  	[simem:s7], [sflag:s8] =	dma.local @!p0 [hbm:s6], $0xF7A  }
0x23: {  	s9 =	sor.u32 $0xD0000000, s2;
	s6 =	simm.s32 $0x108;
	_ =	swait.ge @!p0 [sflag:s8], $0x0  }
0x24: {  	s3 =	sadd.s32 $0x88, s3;
	s6 =	simm.s32 @!p1 $0x1082;
	[sflag:s4] =	ssyncset.s32 $0xFFFFF086  }
0x25: {  	[simem:s6], [sflag:s4] =	dma.local [hbm:s3], $0xF7A  }
0x26: {  	[smem:$0x3F9F] =	sst s1;
	(tag) =	ssettag s2;
	_ =	strace s9  }
0x27: {  	s1 =	sld [smem:$0x3FAF]  }
0x28: {  	s2 =	sld [smem:$0x3FB0]  }
0x29: {  	s4 =	sld [smem:$0x3FB2]  }
0x2a: {  	p0 =	seq.s32 s5, $0x0;
	s5 =	sld [smem:$0x3FB3]  }
0x2b: {  	s6 =	sld [smem:$0x3FB4]  }
0x2c: {  	s7 =	sld [smem:$0x3FB5]  }
0x2d: {  	s3 =	simm.s32 $0x108;
	s8 =	sld [smem:$0x3FB6]  }
0x2e: {  	s3 =	simm.s32 @!p0 $0x1082;
	s9 =	sld [smem:$0x3FB7]  }
0x2f: {  	lr =	sadd.s32 s0, s3;
	s0 =	sld [smem:$0x3FAE]  }
0x30: {  	s3 =	sld [smem:$0x3FB1]  }
0x31: {  	[smem:$0x3FBA] =	sst s10  }
0x32: {  	s10 =	sld [smem:$0x3FB8];
	_ =	sdelay $0x3  }
0x33: {  	p0 =	seq.s32 s10, $0x1;
	s10 =	sld [smem:$0x3FBA];
	_ =	sdelay $0x3  }
0x34: {  	[smem:$0x3FBA] =	sst s10  }
0x35: {  	s10 =	sld [smem:$0x3FB9];
	_ =	sdelay $0x3  }
0x36: {  	p1 =	seq.s32 s10, $0x1;
	s10 =	sld [smem:$0x3FBA];
	_ =	sdelay $0x3  }
0x37: {  	[smem:$0x3FBA] =	sst s10  }
0x38: {  	s10 =	sld [smem:$0x3FBB]  }
0x39: {  	_ = 	snop;
	(pc) =	sbr.ind lr, $3  }
0x3a: {  	_ = 	snop  }
0x3b: {  	_ = 	snop  }
0x3c: {  	p2 =	seq.s32 s10, $0x1;
	s10 =	sld [smem:$0x3FBA]  }
0x3d: {  	_ =	shalt  }
0x3e: {  	_ =	shalt  }
0x3f: {  	_ =	shalt  }
0x40: {  	_ =	shalt  }
0x41: {  	_ =	shalt  }
0x42: {  	_ =	shalt  }
0x43: {  	_ =	shalt  }
0x44: {  	_ =	shalt  }
0x45: {  	_ =	shalt  }
0x46: {  	_ =	shalt  }
0x47: {  	_ =	shalt  }
0x48: {  	_ =	shalt  }
0x49: {  	_ =	shalt  }
0x4a: {  	_ =	shalt  }
0x4b: {  	_ =	shalt  }
0x4c: {  	_ =	shalt  }
0x4d: {  	_ =	shalt  }
0x4e: {  	_ =	shalt  }
0x4f: {  	_ =	shalt  }
0x50: {  	_ =	shalt  }
0x51: {  	_ =	shalt  }
0x52: {  	_ =	shalt  }
0x53: {  	_ =	shalt  }
0x54: {  	_ =	shalt  }
0x55: {  	_ =	shalt  }
0x56: {  	_ =	shalt  }
0x57: {  	_ =	shalt  }
0x58: {  	_ =	shalt  }
0x59: {  	_ =	shalt  }
0x5a: {  	_ =	shalt  }
0x5b: {  	_ =	shalt  }
0x5c: {  	_ =	shalt  }
0x5d: {  	_ =	shalt  }
0x5e: {  	_ =	shalt  }
0x5f: {  	_ =	shalt  }
0x60: {  	_ =	shalt  }
0x61: {  	_ =	shalt  }
0x62: {  	_ =	shalt  }
0x63: {  	_ =	shalt  }
0x64: {  	_ =	shalt  }
0x65: {  	_ =	shalt  }
0x66: {  	_ =	shalt  }
0x67: {  	_ =	shalt  }
0x68: {  	_ =	shalt  }
0x69: {  	_ =	shalt  }
0x6a: {  	_ =	shalt  }
0x6b: {  	_ =	shalt  }
0x6c: {  	_ =	shalt  }
0x6d: {  	_ =	shalt  }
0x6e: {  	_ =	shalt  }
0x6f: {  	_ =	shalt  }
0x70: {  	_ =	shalt  }
0x71: {  	_ =	shalt  }
0x72: {  	_ =	shalt  }
0x73: {  	_ =	shalt  }
0x74: {  	_ =	shalt  }
0x75: {  	_ =	shalt  }
0x76: {  	_ =	shalt  }
0x77: {  	_ =	shalt  }
0x78: {  	_ =	shalt  }
0x79: {  	_ =	shalt  }
0x7a: {  	_ =	shalt  }
0x7b: {  	_ =	shalt  }
0x7c: {  	_ =	shalt  }
0x7d: {  	_ =	shalt  }
0x7e: {  	_ =	shalt  }
0x7f: {  	_ =	shalt  }
0x80: {  	_ =	shalt  }
0x81: {  	_ =	shalt  }
0x82: {  	_ =	shalt  }
0x83: {  	_ =	shalt  }
0x84: {  	_ =	shalt  }
0x85: {  	_ =	shalt  }
0x86: {  	_ =	shalt  }
0x87: {  	_ =	shalt  }
.Lfunc_end0:
.L_simem_size_0:
called_computation_lowered:
.L_overlay_start_0:
0x88: {  	s0 =	sld [smem:$0x3FD9]  }
0x89: {  	s1 =	sld [smem:$0x3FFE];
	_ =	sdelay $0x3  }
0x8a: {  	s0 =	sadd.s32 s1, s0  }
0x8b: {  	[smem:$0x3FC6] =	sst s0  }
0x8c: {  	_ = 	snop  }
0x8d: {  	s0 =	sld [smem:$0x3FD0];
	(tm) =	ssettm $0x1  }
0x8e: {  	s16 =	sld [smem:$0x3FFB];
	_ =	sdelay $0x3  }
0x8f: {  	_ =	strace s16  }
0x90: {  	s1 =	sld [smem:$0x3FFC];
	_ =	sdelay $0x3  }
0x91: {  	_ =	strace s1  }
0x92: {  	s1 =	sld [smem:$0x3FFD];
	_ =	sdelay $0x3  }
0x93: {  	_ =	strace s1  }
0x94: {  	_ =	strace $0x8FFFFFFF  }
0x95: {  	s17 =	sld [smem:$0x3FDB];
	_ =	sdelay $0x1  }
0x96: {  	s2 =	simm.s32 $_scs_section_size  }
0x97: {  	s3 =	simm.s32 $_size__tile_overlayer_lowered;
	s4 =	simm.s32 $_tile_overlayer_lowered  }
0x98: {  	s20 =	simm.s32 $0x1BFF;
	s19 =	sshll.u32 s4, $0x1;
	s1 =	sadd.s32 s2, s17  }
0x99: {  	s5 =	simm.s32 $0x0;
	s18 =	sshll.u32 s3, $0x1;
	s3 =	sadd.s32 s19, s1  }
0x9a: {  	[timem:s5], [sflag:s20] =	dma.local [hbm:s3], s18  }
0x9b: {  	_ =	swait.ge [sflag:s20], s18  }
0x9c: {  	s2 =	ssub.s32 $0x0, s18;
	[sflag:s20] =	ssyncset.done $0x0  }
0x9d: {  	[sflag:s20] =	ssyncadd.s32 s2;
	_ =	sdelay $0x1  }
0x9e: {  	s21 =	simm.s32 $0x1B8B  }
0x9f: {  	_ =	swait.ge [sflag:s21], $0x1  }
0xa0: {  	[sflag:s21] =	ssyncset.done $0x0  }
0xa1: {  	s23 =	simm.s32 $0x1B8E;
	s22 =	sld [smem:$0x3FFE];
	[sflag:s21] =	ssyncadd.s32 $0xFFFFFFFF  }
0xa2: {  	s24 =	simm.s32 $execute0_lowered;
	[smem:$0x3FD2] =	sst s23  }
0xa3: {  	s3 =	sshll.u32 s24, $0x1;
	_ =	strace $0x80000046;
	[dreg:$0x1] =	wrdreg $0xFFFFFFFF  }
0xa4: {  	s25 =	simm.s32 $_size_execute0_lowered;
	s1 =	sadd.s32 s1, s3;
	[dreg:$0x0] =	wrdreg $0x0  }
0xa5: {  	s3 =	sshll.u32 s25, $0x1;
	[dreg:$0x2] =	wrdreg s1  }
0xa6: {  	[dreg:$0x3] =	wrdreg s3  }
0xa7: {  	[dreg:$0x4] =	wrdreg $0xC0  }
0xa8: {  	_ =	task [dreg:s5], $0x5FFFF  }
0xa9: {  	[dreg:$0x1] =	wrdreg $0xFFFFFFFF  }
0xaa: {  	[dreg:$0x0] =	wrdreg $0x60  }
0xab: {  	[dreg:$0x2] =	wrdreg s22  }
0xac: {  	[dreg:$0x3] =	wrdreg s0  }
0xad: {  	[dreg:$0x4] =	wrdreg $0x9  }
0xae: {  	_ =	task.clear_ibuf [dreg:s5], $0x5FFFF;
	_ =	strace $0x90000046  }
0xaf: {  	s26 =	simm.s32 $0x9;
	_ =	strace $0x80000048  }
0xb0: {  	_ =	swait.ge [sflag:s26], $0x1  }
0xb1: {  	[sflag:s26] =	ssyncadd.s32 $0xFFFFFFFF  }
0xb2: {  	_ =	strace $0x90000048  }
0xb3: {  	_ =	sfence  }
0xb4: {  	s28 =	sld [smem:$0x0];
	_ =	sdelay $0x1  }
0xb5: {  	s29 =	srdreg.scid  }
0xb6: {  	s30 =	sshll.u32 s29, $0xD;
	s31 =	sshrl.u32 s29, $0x2  }
0xb7: {  	s2 =	sand.u32 $0x4000, s30;
	s1 =	sand.u32 $0x1, s29;
	s0 =	sadd.s32 s31, s28  }
0xb8: {  	s1 =	sor.u32 s2, s1;
	s0 =	sshll.u32 s0, $0x11  }
0xb9: {  	s0 =	sor.u32 s0, s1  }
0xba: {  	s0 =	sadd.s32 $0x8F2B, s0  }
0xbb: {  	[sflag:s0] =	ssyncadd.remote.s32 $0x1  }
0xbc: {  	_ =	sfence.sel $0xFFFF  }
0xbd: {  	[dreg:$0x0] =	wrdreg $0xFFFFFFFF;
	(pc) =	sbr.abs _section_cstart, $3  }
0xbe: {  	[dreg:$0x1] =	wrdreg $0xFFFFFFFF  }
0xbf: {  	_ =	task.clear_ibuf [dreg:s5], $0x2FFFF;
	_ =	strace $0x9FFFFFFF  }
0xc0: {  	(tm) =	ssettm $0x7FFFFFFF  }
0xc1: {  	_ =	shalt  }
tec
execute0_lowered:
.L_overlay_start_1:
0x0: {  	(tag) =	ssettag $0x1  }
0x1: {  	s0 =	stileid.u32  }
0x2: {  	s1 =	smin.u32 s0, $0x9  }
0x3: {  	s1 =	sadd.s32 s0, s1  }
0x4: {  	s2 =	simm.s32 $0x320;
	p0 =	slt.u32 s0, $0x9;
	s1 =	smul.u32 $0x190, s1  }
0x5: {  	s2 =	simm.s32 @!p0 $0x190  }
0x6: {  	s2 =	sadd.s32 s2, s1  }
0x7: {  	s3 =	smin.u32 s2, $0x2710  }
0x8: {  	s7 =	ssub.s32 s3, s1  }
0x9: {  	p0 =	sgt.s32 s7, $0x0  }
0xa: {  	s7 =	simm.s32 @!p0 $0x0  }
0xb: {  	s31 =	sand.u32 $0xFFF0, s7  }
0xc: {  	s2 =	sshrl.u32 s31, $0x4  }
0xd: {  	s4 =	rddreg [dreg:$0x0];
	s2 =	smul.u32 $0xA3E, s2  }
0xe: {  	s5 =	rddreg [dreg:$0x1]  }
0xf: {  	s6 =	simm.s32 $0x1;
	s10 =	simm.s32 $0x3;
	s8 =	sshrl.u32 s2, $0x10  }
0x10: {  	s13 =	simm.s32 $0x0;
	s12 =	simm.s32 $0x0;
	s9 =	smul.u32 $0x190, s8  }
.Ltmp0:
0x11: {  	s11 =	smov.u32 s1;
	s2 =	rddreg [dreg:$0x2];
	(pc) =	sbr.rel .LBB2_1-.Ltmp0, $4  }
0x12: {  	_ =	strace $0x80000047;
	p0 =	sne.s32 s7, s9;
	s9 =	simm.s32 $0x1  }
0x13: {  	[sflag:s6] =	ssyncpa.u1 $0x0;
	s7 =	simm.s32 $0x2;
	s9 =	simm.s32 @!p0 $0x0  }
0x14: {  	[sflag:s7] =	ssyncpa.u1 $0x0;
	p0 =	por $0x0, $0x0;
	s8 =	sadd.s32 s8, s9  }
0x15: {  	v0 =	vimm.s32 $0x0;
	vm0 =	vmmov $0xff;
	vm1 =	vcmask $0x3F20;
	s9 =	sadd.s32 $0x27200, s4;
	[sflag:s10] =	ssyncpa.u1 $0x0;
	s10 =	sadd.s32 $0x1, s8  }
.LBB2_6:
0x16: {  	[hbm:s17] =	stream.linear.scatter [tilespmem:s14], [sflag:$0x3], $0x400, $0x38;
	[tilespmem:$0x19320] =	vst v63  }
.LBB2_7:
0x17: {  	s13 =	sadd.s32 $0x190, s11  }
0x18: {  	s15 =	smov.u32 s1;
	p2 =	slt.s32 s13, s3  }
0x19: {  	s15 =	smov.u32 @p2 s13;
	p2 =	sne.s32 s12, s10  }
.Ltmp1:
0x1a: {  	p1 =	slt.u32 s12, $0x2;
	(pc) =	sbr.rel @!p2 .LBB2_8-.Ltmp1, $4  }
0x1b: {  	s14 =	simm.s32 @!p1 $0x3  }
0x1c: {  	s16 =	sadd.s32 $0x1, s12;
	_ =	swait.ge @!p1 [sflag:s14], $0xC800  }
0x1d: {  	p0 =	por !p0, !p0;
	s13 =	smov.u32 s11;
	[sflag:s14] =	ssyncset.done @!p1 $0x0  }
0x1e: {  	s12 =	smov.u32 s16;
	s11 =	smov.u32 s15;
	[sflag:s14] =	ssyncadd.s32 @!p1 $0xFFFF3800  }
.LBB2_1:
0x1f: {  	p1 =	sge.u32 s12, s8  }
0x20: {  	s14 =	sxor.u32 @!p1 $0xFFFFFFFF, s12  }
0x21: {  	s14 =	sand.u32 @!p1 $0x1, s14  }
0x22: {  	s14 =	smul.u32 @!p1 $0x640, s14  }
0x23: {  	s31 =	sadd.s32 $0xFFFFFFFF, s12;
	s15 =	sshrl.u32 @!p1 s11, $0x3  }
0x24: {  	s16 =	sand.u32 @!p1 $0x7, s11;
	s15 =	sadd.s32 @!p1 s5, s15;
	s14 =	sshrl.u32 @!p1 s14, $0x2  }
0x25: {  	[tilespmem:s14], [sflag:$0x2] =	stream.linear.gather @!p1 [hbm4b:s15+s16], $0x190, $0x38;
	[tilespmem:$0x19320] =	vst v63  }
0x26: {  	p1 =	sge.u32 s31, s8  }
.Ltmp2:
0x27: {  	_ = 	snop;
	(pc) =	sbr.rel @p1 .LBB2_7-.Ltmp2, $1  }
0x28: {  	_ =	sdelay $0x3  }
0x29: {  	s14 =	simm.s32 $0x1  }
0x2a: {  	s14 =	simm.s32 @!p0 $0x0  }
0x2b: {  	s15 =	smul.u32 $0x640, s14  }
0x2c: {  	_ =	swait.ge [sflag:s7], $0x190  }
0x2d: {  	[sflag:s7] =	ssyncset.done $0x0;
	s16 =	sshrl.u32 s15, $0x2  }
0x2e: {  	[sflag:s7] =	ssyncadd.s32 $0xFFFFFE70;
	s15 =	sadd.s32 $0x0, s16  }
0x2f: {  	v1 =	vld.msk [tilespmem:s15+$0x0 ss:$0x1], $0xffff;
	_ =	sdelay $0x4  }
0x30: {  	v2 =	vand.u32 $0x1, v1;
	v3 =	vshll.u32 v1, $0x6  }
0x31: {  	vm2 =	veq.s32 v1, $0x80000000;
	vm3 =	veq.s32 v2, $0x1;
	v1 =	vand.u32 $0xFFF80, v3  }
0x32: {  	v2 =	vsel vm3, $0x9C400, v0;
	v1 =	vsel vm2, $0xFFFFFF80, v1  }
0x33: {  	v2 =	vsel vm2, $0xFFF63C00, v2;
	v3 =	vand.u32 $0xFFFFFC00, v1  }
0x34: {  	v1 =	vand.u32 $0x380, v1;
	v2 =	vadd.s32 v2, v3  }
0x35: {  	v1 =	vor.u32 v1, v2  }
0x36: {  	v1 =	vshrl.u32 v1, $0x3  }
0x37: {  	s14 =	smul.u32 $0x32000, s14;
	_ =	sdelay $0x1  }
0x38: {  	s14 =	sshrl.u32 s14, $0x2  }
0x39: {  	s14 =	sor.u32 $0x320, s14  }
0x3a: {  	[tilespmem:s14], [sflag:$0x1] =	stream.indirect_vreg.gather [hbm:s4], $0x80, v1, vm0, $0x38;
	[tilespmem:$0x19320] =	vst v63  }
0x3b: {  	s17 =	sadd.s32 $0x10, s16;
	s15 =	sadd.s32 $0x400, s14  }
0x3c: {  	[tilespmem:s15], [sflag:$0x1] =	stream.indirect_vreg.gather [hbm:s4], $0x80, v1, vm1, $0x38;
	[tilespmem:$0x19320] =	vst v63  }
0x3d: {  	s18 =	simm.s32 $0x80;
	v1 =	vld.msk [tilespmem:s17+$0x0 ss:$0x1], $0xffff;
	s17 =	smov.u32 s14  }
.LBB2_3:
0x3e: {  	p1 =	sne.s32 s18, $0x600;
	_ =	sdelay $0x4  }
0x3f: {  	v2 =	vand.u32 $0x1, v1;
	v3 =	vshll.u32 v1, $0x6  }
0x40: {  	vm2 =	veq.s32 v1, $0x80000000;
	vm3 =	veq.s32 v2, $0x1;
	v1 =	vand.u32 $0xFFF80, v3  }
0x41: {  	v2 =	vsel vm3, $0x9C400, v0;
	v1 =	vsel vm2, $0xFFFFFF80, v1  }
0x42: {  	v2 =	vsel vm2, $0xFFF63C00, v2;
	v3 =	vand.u32 $0xFFFFFC00, v1  }
0x43: {  	v1 =	vand.u32 $0x380, v1;
	v2 =	vadd.s32 v2, v3  }
0x44: {  	v1 =	vor.u32 v1, v2  }
0x45: {  	v1 =	vshrl.u32 v1, $0x3;
	_ =	sdelay $0x3  }
.Ltmp3:
0x46: {  	s19 =	sshra.s32 s18, $0x2;
	s17 =	sadd.s32 $0x800, s17;
	(pc) =	sbr.rel @p1 .LBB2_3-.Ltmp3, $4  }
0x47: {  	[tilespmem:s17], [sflag:$0x1] =	stream.indirect_vreg.gather [hbm:s4], $0x80, v1, vm0, $0x38;
	[tilespmem:$0x19320] =	vst v63  }
0x48: {  	s19 =	sadd.s32 s19, s16;
	s20 =	sadd.s32 $0x400, s17  }
0x49: {  	[tilespmem:s20], [sflag:$0x1] =	stream.indirect_vreg.gather [hbm:s4], $0x80, v1, vm1, $0x38;
	[tilespmem:$0x19320] =	vst v63  }
0x4a: {  	s18 =	sadd.s32 $0x40, s18;
	v1 =	vld.msk [tilespmem:s19+$0x0 ss:$0x1], $0xffff  }
0x4b: {  	_ =	sdelay $0x3  }
0x4c: {  	v2 =	vand.u32 $0x1, v1;
	v3 =	vshll.u32 v1, $0x6  }
0x4d: {  	vm2 =	veq.s32 v1, $0x80000000;
	vm3 =	veq.s32 v2, $0x1;
	v1 =	vand.u32 $0xFFF80, v3  }
0x4e: {  	v2 =	vsel vm3, $0x9C400, v0;
	v1 =	vsel vm2, $0xFFFFFF80, v1  }
0x4f: {  	v2 =	vsel vm2, $0xFFF63C00, v2;
	v3 =	vand.u32 $0xFFFFFC00, v1  }
0x50: {  	v1 =	vand.u32 $0x380, v1;
	v2 =	vadd.s32 v2, v3  }
0x51: {  	v1 =	vor.u32 v1, v2  }
0x52: {  	v1 =	vshrl.u32 v1, $0x3;
	_ =	sdelay $0x3  }
0x53: {  	s16 =	sadd.s32 $0x800, s17  }
0x54: {  	[tilespmem:s16], [sflag:$0x1] =	stream.indirect_vreg.gather [hbm:s4], $0x80, v1, vm0, $0x38;
	[tilespmem:$0x19320] =	vst v63  }
0x55: {  	s16 =	sadd.s32 $0x400, s16  }
0x56: {  	[tilespmem:s16], [sflag:$0x1] =	stream.indirect_vreg.gather [hbm:s4], $0x80, v1, vm1, $0x38;
	[tilespmem:$0x19320] =	vst v63  }
0x57: {  	s13 =	sshll.u32 s13, $0x4;
	_ =	swait.ge [sflag:s6], $0xC800  }
0x58: {  	s13 =	sadd.s32 s13, s9;
	[sflag:s6] =	ssyncset.done $0x0  }
0x59: {  	s17 =	sadd.s32 $0x0, s13;
	s16 =	simm.s32 $0x80;
	[sflag:s6] =	ssyncadd.s32 $0xFFFF3800  }
.LBB2_5:
0x5a: {  	[hbm:s17] =	stream.linear.scatter [tilespmem:s14], [sflag:$0x3], $0x400, $0x38;
	[tilespmem:$0x19320] =	vst v63  }
0x5b: {  	s17 =	smov.u32 s16;
	s14 =	smov.u32 s15;
	p1 =	sne.s32 s16, $0x1880  }
.Ltmp4:
0x5c: {  	s16 =	sadd.s32 $0x80, s16;
	(pc) =	sbr.rel @p1 .LBB2_5-.Ltmp4, $2  }
0x5d: {  	_ =	sdelay $0x2  }
0x5e: {  	s15 =	sadd.s32 $0x400, s15;
	s17 =	sadd.s32 s17, s13  }
.Ltmp5:
0x5f: {  	_ = 	snop;
	(pc) =	sbr.rel .LBB2_6-.Ltmp5, $1  }
0x60: {  	_ =	sdelay $0x3  }
.LBB2_8:
0x61: {  	_ =	sfence.sel $0x180000  }
0x62: {  	s1 =	simm.s32 $0x2;
	[bflag:$0x0] =	sbarrier.arrive $0xFFFF  }
0x63: {  	s30 =	simm.s32 $0x3;
	[sflag:s1] =	ssyncpa.u1 $0x1  }
0x64: {  	s31 =	simm.s32 $0x1;
	[sflag:s30] =	ssyncpa.u1 $0x1  }
0x65: {  	[sflag:s31] =	ssyncpa.u1 $0x1  }
0x66: {  	p0 =	sne.s32 s0, $0x0;
	_ =	strace $0x90000047  }
0x67: {  	s0 =	sadd.s32 @!p0 $0x100000, s2;
	[bflag:$0x2] =	sbarrier.arrive $0xFFFF  }
0x68: {  	[sflag:s0] =	ssyncadd.tile.s32 @!p0 $0x1;
	_ =	shalt  }
.Lfunc_end2:
_tile_overlayer_lowered:
.L_overlay_start_2:
0x69: {  	(tag) =	ssettag $0x2  }
0x6a: {  	s0 =	rddreg [dreg:$0x0];
	s2 =	stileid.u32  }
0x6b: {  	s1 =	rddreg [dreg:$0x1];
	p0 =	sne.s32 s2, $0x0  }
0x6c: {  	s3 =	rddreg [dreg:$0x2];
	[bflag:$0x3] =	sbarrier.arrive $0xFFFF;
	s2 =	simm.s32 @!p0 $0x1C01  }
0x6d: {  	[timem:s3], [sflag:s2] =	dma.local @!p0 [hbm:s0], s1  }
0x6e: {  	s0 =	simm.s32 @!p0 $0x1  }
0x6f: {  	_ =	swait.ge @!p0 [sflag:s0], s1  }
0x70: {  	s1 =	ssub.s32 @!p0 $0x0, s1;
	[sflag:s0] =	ssyncset.done @!p0 $0x0  }
0x71: {  	[sflag:s0] =	ssyncadd.s32 @!p0 s1  }
0x72: {  	[bflag:$0x3] =	sbarrier.arrive $0xFFFF  }
0x73: {  	_ =	shalt  }

</sc_bundles>
